<compile_context>
chip_gen: v7x
topology: tpu7x:2x2x1
jax: 0.10.2.dev20260603
libtpu: 0.0.44.dev20260713+nightly
codegen_flags: <defaults>
</compile_context>

<pallas_src>
import jax
import jax.numpy as jnp
from jax import lax
from jax.experimental import pallas as pl
from jax.experimental.pallas import tpu as pltpu
from jax.experimental.pallas import tpu_sc as plsc

K = 8192
D = 32
ROWS = 16384
BLK = 1024
BETA = 0.25

NC = 2
NS = 16
NW = NC * NS
RPW = ROWS // NW
CH = 128
NCH = RPW // CH


def _sc_body(idx_hbm, e_hbm, q_hbm, cnt_hbm,
             idx_v, rows_v, ones_v, zero_v, shared_cnt, sem):
    c = lax.axis_index("c")
    s = lax.axis_index("s")
    wid = c * NS + s
    base = wid * NCH

    pltpu.sync_copy(idx_hbm.at[pl.ds(base, NCH)], idx_v)

    def _fill(i, _):
        ones_v[pl.ds(i * 16, 16)] = jnp.ones((16,), jnp.float32)
        return 0
    lax.fori_loop(0, CH // 16, _fill, 0)

    @pl.when(s == 0)
    def _init_shared():
        def _z(i, _):
            zero_v[pl.ds(i * 16, 16)] = jnp.zeros((16,), jnp.float32)
            return 0
        lax.fori_loop(0, K // 16, _z, 0)
        pltpu.sync_copy(zero_v, shared_cnt)

    plsc.subcore_barrier()

    for j in range(NCH):
        pltpu.async_copy(e_hbm.at[idx_v.at[j]], rows_v.at[j], sem).wait()
        pltpu.sync_copy(ones_v, shared_cnt.at[idx_v.at[j]], add=True)

    pltpu.sync_copy(rows_v, q_hbm.at[pl.ds(base, NCH)])

    plsc.subcore_barrier()

    @pl.when(s == 0)
    def _dump_counts():
        pltpu.sync_copy(shared_cnt, cnt_hbm.at[c])


def _sc_call(idx, emb):
    mesh = plsc.VectorSubcoreMesh(core_axis_name="c", subcore_axis_name="s")
    f = pl.kernel(
        _sc_body,
        out_type=[
            jax.ShapeDtypeStruct((ROWS // CH, CH, D), jnp.float32),
            jax.ShapeDtypeStruct((NC, K), jnp.float32),
        ],
        mesh=mesh,
        scratch_types=[
            pltpu.VMEM((NCH, CH), jnp.int32),
            pltpu.VMEM((NCH, CH, D), jnp.float32),
            pltpu.VMEM((CH,), jnp.float32),
            pltpu.VMEM((K,), jnp.float32),
            pltpu.VMEM_SHARED((K,), jnp.float32),
            pltpu.SemaphoreType.DMA,
        ],
        compiler_params=pltpu.CompilerParams(use_tc_tiling_on_sc=False),
    )
    return f(idx, emb)


def _losspart_body(q_ref, x_ref, out_ref):
    q = q_ref[...]
    x = x_ref[...]
    dlt = q - x
    out_ref[0, 0, 0] = jnp.sum(dlt * dlt)


def _losspart_call(q_rows, x):
    return pl.pallas_call(
        _losspart_body,
        grid=(ROWS // BLK,),
        in_specs=[
            pl.BlockSpec((BLK, D), lambda i: (i, 0)),
            pl.BlockSpec((BLK, D), lambda i: (i, 0)),
        ],
        out_specs=pl.BlockSpec((1, 1, 1), lambda i: (i, 0, 0),
                               memory_space=pltpu.SMEM),
        out_shape=jax.ShapeDtypeStruct((ROWS // BLK, 1, 1), jnp.float32),
    )(q_rows, x)


def _fin_body(cnt_ref, dsum_ref, loss_ref, ppl_ref):
    cnt = cnt_ref[...]
    total = cnt[0:1, :] + cnt[1:2, :]
    p = total * (1.0 / ROWS)
    ent = jnp.sum(p * jnp.log(p + 1e-10), keepdims=False)
    ppl = jnp.exp(-ent)
    ds = dsum_ref[...]
    loss = BETA * (jnp.sum(ds) / (ROWS * D))
    loss_ref[...] = jnp.full((1, 1), 0.0, jnp.float32) + loss
    ppl_ref[...] = jnp.full((1, 1), 0.0, jnp.float32) + ppl


def _fin_call(cnt, dsum):
    return pl.pallas_call(
        _fin_body,
        in_specs=[
            pl.BlockSpec((NC, K), lambda: (0, 0)),
            pl.BlockSpec((ROWS // BLK, 1), lambda: (0, 0)),
        ],
        out_specs=[
            pl.BlockSpec((1, 1), lambda: (0, 0)),
            pl.BlockSpec((1, 1), lambda: (0, 0)),
        ],
        out_shape=[
            jax.ShapeDtypeStruct((1, 1), jnp.float32),
            jax.ShapeDtypeStruct((1, 1), jnp.float32),
        ],
    )(cnt, dsum)


def kernel(inputs, embedding):
    B, C, H, W = inputs.shape
    x = jnp.transpose(inputs, (0, 2, 3, 1)).reshape(ROWS, D)

    x2 = jnp.sum(x * x, axis=1, keepdims=True)
    e2 = jnp.sum(embedding * embedding, axis=1)
    dd = (x2 - 2.0 * jnp.matmul(x, embedding.T)) + e2
    idx = jnp.argmin(dd, axis=1).astype(jnp.int32)

    q_rows, cnt = _sc_call(idx.reshape(ROWS // CH, CH), embedding)
    q_flat = q_rows.reshape(ROWS, D)

    dsum = _losspart_call(q_flat, x).reshape(ROWS // BLK, 1)
    loss2d, ppl2d = _fin_call(cnt, dsum)

    quantized = q_flat.reshape(B, H, W, C).transpose(0, 3, 1, 2)
    return (quantized, loss2d.reshape(()), ppl2d.reshape(()))

# --- scband reference (transcript-rebuilt; emitter-appended) ---
"""Pipeline reference for scband-vector-quantizer-77601469104664 (READ-ONLY COPY).

The authoritative reference and input builder live on the scoring server;
editing this copy changes nothing except your own understanding.
"""

import jax, jax.numpy as jnp
import numpy as np

NUM_EMBEDDINGS = 8192
EMBEDDING_DIM = 32
COMMITMENT_COST = 0.25


def setup_inputs(seed: int = 0) -> dict:
    key = jax.random.key(seed)
    k1, k2 = jax.random.split(key)
    inputs = jax.random.normal(k1, (16, EMBEDDING_DIM, 32, 32), dtype=jnp.float32)
    embedding = jax.random.normal(k2, (NUM_EMBEDDINGS, EMBEDDING_DIM), dtype=jnp.float32)
    return {"inputs": inputs, "embedding": embedding}


def reference(inputs, embedding):
    # permute BCHW -> BHWC
    x = jnp.transpose(inputs, (0, 2, 3, 1))
    input_shape = x.shape
    flat_input = x.reshape(-1, EMBEDDING_DIM)
    # squared L2 distances to every codebook entry
    distances = (jnp.sum(flat_input ** 2, axis=1, keepdims=True)
                 - 2.0 * jnp.matmul(flat_input, embedding.T)
                 + jnp.sum(embedding ** 2, axis=1))
    encoding_indices = jnp.argmin(distances, axis=1)
    encodings = jax.nn.one_hot(encoding_indices, NUM_EMBEDDINGS, dtype=flat_input.dtype)
    quantized = jnp.matmul(encodings, embedding).reshape(input_shape)
    # eval-mode forward: no EMA buffer updates
    e_latent_loss = jnp.mean((jax.lax.stop_gradient(quantized) - x) ** 2)
    loss = COMMITMENT_COST * e_latent_loss
    # straight-through estimator
    quantized = x + jax.lax.stop_gradient(quantized - x)
    quantized = jnp.transpose(quantized, (0, 3, 1, 2))
    avg_probs = jnp.mean(encodings, axis=0)
    perplexity = jnp.exp(-jnp.sum(avg_probs * jnp.log(avg_probs + 1e-10)))
    return (quantized, loss, perplexity)

if __name__ == "__main__":
    import jax
    _d = setup_inputs()
    print(jax.jit(kernel)(*tuple(_d.values())))

</pallas_src>

<mosaic_0001>
#map = affine_map<(d0, d1) -> (0, 0)>
#map1 = affine_map<(d0, d1) -> (0, 0, 0)>
module attributes {stable_mosaic.version = 14 : i64} {
  func.func @_sc_body(%arg0: i32, %arg1: i32, %arg2: memref<128x128xi32, #tpu.memory_space<hbm>>, %arg3: memref<8192x32xf32, #tpu.memory_space<hbm>>, %arg4: memref<128x128x32xf32, #tpu.memory_space<hbm>>, %arg5: memref<2x8192xf32, #tpu.memory_space<hbm>>, %arg6: memref<4x128xi32, #tpu.memory_space<vmem>>, %arg7: memref<4x128x32xf32, #tpu.memory_space<vmem>>, %arg8: memref<128xf32, #tpu.memory_space<vmem>>, %arg9: memref<8192xf32, #tpu.memory_space<vmem>>, %arg10: memref<8192xf32, #tpu.memory_space<vmem_shared>>, %arg11: memref<!tpu.dma_semaphore, #tpu.memory_space<semaphore_mem>>) attributes {dimension_semantics = [#tpu.dimension_semantics<core_parallel>, #tpu.dimension_semantics<subcore_parallel>], iteration_bounds = array<i64: 2, 16>, scalar_prefetch = 0 : i64, scratch_operands = 6 : i64, tpu.core_type = #tpu.core_type<sc_vector_subcore>, window_params = [{transform_indices = #map}, {transform_indices = #map}, {transform_indices = #map1}, {transform_indices = #map}]} {
    %mul3A = arith.constant 16 : i32
    %mul3A_0 = arith.muli %arg0, %mul3A : i32
    %add3A = arith.addi %mul3A_0, %arg1 : i32
    %mul3A_1 = arith.constant 4 : i32
    %mul3A_2 = arith.muli %add3A, %mul3A_1 : i32
    "tpu.region"() ({
      %run_scoped3A_114 = tpu.sem_alloc : memref<!tpu.dma_semaphore, #tpu.memory_space<semaphore_mem>>
      %dma_start3A_115 = arith.constant 0 : i32
      %dma_start3A_116 = tpu.memref_slice %arg2[%mul3A_2, %dma_start3A_115] : memref<128x128xi32, #tpu.memory_space<hbm>> -> memref<4x128xi32, #tpu.memory_space<hbm>>
      %dma_start3A_117 = arith.constant 0 : i32
      %dma_start3A_118 = tpu.memref_slice %arg2[%mul3A_2, %dma_start3A_117] : memref<128x128xi32, #tpu.memory_space<hbm>> -> memref<4x128xi32, #tpu.memory_space<hbm>>
      tpu.enqueue_dma source(%dma_start3A_118 : memref<4x128xi32, #tpu.memory_space<hbm>>) target(%arg6 : memref<4x128xi32, #tpu.memory_space<vmem>>) target_semaphore(%run_scoped3A_114 : memref<!tpu.dma_semaphore, #tpu.memory_space<semaphore_mem>>)
      %dma_wait3A_119 = arith.constant 0 : i32
      %dma_wait3A_120 = tpu.memref_slice %arg2[%mul3A_2, %dma_wait3A_119] : memref<128x128xi32, #tpu.memory_space<hbm>> -> memref<4x128xi32, #tpu.memory_space<hbm>>
      %dma_wait3A_121 = arith.constant 0 : i32
      %dma_wait3A_122 = tpu.memref_slice %arg2[%mul3A_2, %dma_wait3A_121] : memref<128x128xi32, #tpu.memory_space<hbm>> -> memref<4x128xi32, #tpu.memory_space<hbm>>
      tpu.wait_dma2 semaphore(%run_scoped3A_114 : memref<!tpu.dma_semaphore, #tpu.memory_space<semaphore_mem>>) src(%dma_wait3A_122 : memref<4x128xi32, #tpu.memory_space<hbm>>) dst(%arg6 : memref<4x128xi32, #tpu.memory_space<vmem>>)
      tpu.yield
    }) : () -> ()
    %scan3A = arith.constant 0 : i32
    %scan3A_3 = arith.constant 0 : i32
    %scan3A_4 = arith.constant 8 : i32
    %scan3A_5 = arith.addi %scan3A_3, %scan3A_4 : i32
    %scan3A_6 = arith.constant 1 : i32
    %scan3A_7 = scf.for %scan3A_114 = %scan3A_3 to %scan3A_5 step %scan3A_6 iter_args(%scan3A_115 = %scan3A) -> (i32)  : i32 {
      %broadcast_in_dim3A = arith.constant 1.000000e+00 : f32
      %broadcast_in_dim3A_116 = vector.broadcast %broadcast_in_dim3A : f32 to vector<16xf32>
      %mul3A_117 = arith.constant 16 : i32
      %mul3A_118 = arith.muli %scan3A_114, %mul3A_117 : i32
      %swap3A = arith.index_cast %mul3A_118 : i32 to index
      %swap3A_119 = tpu.vector_load %arg8[%swap3A] {strides = array<i32>} : memref<128xf32, #tpu.memory_space<vmem>>, vector<16xf32>,
      %swap3A_120 = vector.shape_cast %swap3A_119 : vector<16xf32> to vector<16xf32>
      %swap3A_121 = vector.shape_cast %broadcast_in_dim3A_116 : vector<16xf32> to vector<16xf32>
      tpu.vector_store %arg8[%swap3A], %swap3A_121 {strides = array<i32>} : memref<128xf32, #tpu.memory_space<vmem>>, vector<16xf32>,
      %scan3A_122 = arith.constant 0 : i32
      scf.yield %scan3A_122 : i32
    }
    %scan3A_8 = arith.constant 8 : i32
    %eq3A = arith.constant 0 : i32
    %eq3A_9 = arith.cmpi eq, %arg1, %eq3A : i32
    %convert_element_type3A = arith.extui %eq3A_9 : i1 to i32
    %cond3A = arith.constant 0 : i32
    %cond3A_10 = arith.cmpi ne, %convert_element_type3A, %cond3A : i32
    scf.if %cond3A_10 {
      %scan3A_114 = arith.constant 0 : i32
      %scan3A_115 = arith.constant 0 : i32
      %scan3A_116 = arith.constant 512 : i32
      %scan3A_117 = arith.addi %scan3A_115, %scan3A_116 : i32
      %scan3A_118 = arith.constant 1 : i32
      %scan3A_119 = scf.for %scan3A_121 = %scan3A_115 to %scan3A_117 step %scan3A_118 iter_args(%scan3A_122 = %scan3A_114) -> (i32)  : i32 {
        %broadcast_in_dim3A = arith.constant 0.000000e+00 : f32
        %broadcast_in_dim3A_123 = vector.broadcast %broadcast_in_dim3A : f32 to vector<16xf32>
        %mul3A_124 = arith.constant 16 : i32
        %mul3A_125 = arith.muli %scan3A_121, %mul3A_124 : i32
        %swap3A = arith.index_cast %mul3A_125 : i32 to index
        %swap3A_126 = tpu.vector_load %arg9[%swap3A] {strides = array<i32>} : memref<8192xf32, #tpu.memory_space<vmem>>, vector<16xf32>,
        %swap3A_127 = vector.shape_cast %swap3A_126 : vector<16xf32> to vector<16xf32>
        %swap3A_128 = vector.shape_cast %broadcast_in_dim3A_123 : vector<16xf32> to vector<16xf32>
        tpu.vector_store %arg9[%swap3A], %swap3A_128 {strides = array<i32>} : memref<8192xf32, #tpu.memory_space<vmem>>, vector<16xf32>,
        %scan3A_129 = arith.constant 0 : i32
        scf.yield %scan3A_129 : i32
      }
      %scan3A_120 = arith.constant 512 : i32
      "tpu.region"() ({
        %run_scoped3A_121 = tpu.sem_alloc : memref<!tpu.dma_semaphore, #tpu.memory_space<semaphore_mem>>
        tpu.enqueue_dma source(%arg9 : memref<8192xf32, #tpu.memory_space<vmem>>) target(%arg10 : memref<8192xf32, #tpu.memory_space<vmem_shared>>) target_semaphore(%run_scoped3A_121 : memref<!tpu.dma_semaphore, #tpu.memory_space<semaphore_mem>>)
        tpu.wait_dma2 semaphore(%run_scoped3A_121 : memref<!tpu.dma_semaphore, #tpu.memory_space<semaphore_mem>>) src(%arg9 : memref<8192xf32, #tpu.memory_space<vmem>>) dst(%arg10 : memref<8192xf32, #tpu.memory_space<vmem_shared>>)
        tpu.yield
      }) : () -> ()
    } else {
    }
    %barrier3A = arith.constant 0 : index
    tpu.barrier barrier_id(%barrier3A)
    %dma_start3A = arith.constant 0 : i32
    %dma_start3A_11 = arith.constant 0 : i32
    %dma_start3A_12 = arith.constant 0 : i32
    %dma_start3A_13 = arith.constant 0 : i32
    %dma_start3A_14 = tpu.memref_slice %arg7[%dma_start3A_11, %dma_start3A_12, %dma_start3A_13] : memref<4x128x32xf32, #tpu.memory_space<vmem>> -> memref<1x128x32xf32, #tpu.memory_space<vmem>>
    %dma_start3A_15 = tpu.memref_squeeze %dma_start3A_14 : memref<1x128x32xf32, #tpu.memory_space<vmem>> -> memref<128x32xf32, #tpu.memory_space<vmem>>
    %dma_start3A_16 = arith.constant 0 : i32
    %dma_start3A_17 = tpu.memref_slice %arg6[%dma_start3A, %dma_start3A_16] : memref<4x128xi32, #tpu.memory_space<vmem>> -> memref<1x128xi32, #tpu.memory_space<vmem>>
    %dma_start3A_18 = tpu.memref_squeeze %dma_start3A_17 : memref<1x128xi32, #tpu.memory_space<vmem>> -> memref<128xi32, #tpu.memory_space<vmem>>
    %dma_start3A_19 = arith.constant 0 : i32
    %dma_start3A_20 = arith.constant 0 : i32
    %dma_start3A_21 = tpu.memref_slice %arg3[%dma_start3A_19, %dma_start3A_20] : memref<8192x32xf32, #tpu.memory_space<hbm>> -> memref<8192x32xf32, #tpu.memory_space<hbm>>
    tpu.enqueue_indirect_dma source(%dma_start3A_21 : memref<8192x32xf32, #tpu.memory_space<hbm>>) target(%dma_start3A_15 : memref<128x32xf32, #tpu.memory_space<vmem>>) offsets(%dma_start3A_18 : memref<128xi32, #tpu.memory_space<vmem>>) semaphore(%arg11 : memref<!tpu.dma_semaphore, #tpu.memory_space<semaphore_mem>>)
    %dma_wait3A = arith.constant 0 : i32
    %dma_wait3A_22 = arith.constant 0 : i32
    %dma_wait3A_23 = arith.constant 0 : i32
    %dma_wait3A_24 = arith.constant 0 : i32
    %dma_wait3A_25 = tpu.memref_slice %arg7[%dma_wait3A_22, %dma_wait3A_23, %dma_wait3A_24] : memref<4x128x32xf32, #tpu.memory_space<vmem>> -> memref<1x128x32xf32, #tpu.memory_space<vmem>>
    %dma_wait3A_26 = tpu.memref_squeeze %dma_wait3A_25 : memref<1x128x32xf32, #tpu.memory_space<vmem>> -> memref<128x32xf32, #tpu.memory_space<vmem>>
    %dma_wait3A_27 = arith.constant 0 : i32
    %dma_wait3A_28 = tpu.memref_slice %arg6[%dma_wait3A, %dma_wait3A_27] : memref<4x128xi32, #tpu.memory_space<vmem>> -> memref<1x128xi32, #tpu.memory_space<vmem>>
    %dma_wait3A_29 = tpu.memref_squeeze %dma_wait3A_28 : memref<1x128xi32, #tpu.memory_space<vmem>> -> memref<128xi32, #tpu.memory_space<vmem>>
    %dma_wait3A_30 = arith.constant 0 : i32
    %dma_wait3A_31 = arith.constant 0 : i32
    %dma_wait3A_32 = tpu.memref_slice %arg3[%dma_wait3A_30, %dma_wait3A_31] : memref<8192x32xf32, #tpu.memory_space<hbm>> -> memref<8192x32xf32, #tpu.memory_space<hbm>>
    tpu.wait_indirect_dma semaphore(%arg11 : memref<!tpu.dma_semaphore, #tpu.memory_space<semaphore_mem>>) src(%dma_wait3A_32 : memref<8192x32xf32, #tpu.memory_space<hbm>>) dst(%dma_wait3A_26 : memref<128x32xf32, #tpu.memory_space<vmem>>)
    %run_scoped3A = arith.constant 0 : i32
    "tpu.region"() ({
      %run_scoped3A_114 = tpu.sem_alloc : memref<!tpu.dma_semaphore, #tpu.memory_space<semaphore_mem>>
      %dma_start3A_115 = arith.constant 0 : i32
      %dma_start3A_116 = tpu.memref_slice %arg6[%run_scoped3A, %dma_start3A_115] : memref<4x128xi32, #tpu.memory_space<vmem>> -> memref<1x128xi32, #tpu.memory_space<vmem>>
      %dma_start3A_117 = tpu.memref_squeeze %dma_start3A_116 : memref<1x128xi32, #tpu.memory_space<vmem>> -> memref<128xi32, #tpu.memory_space<vmem>>
      %dma_start3A_118 = arith.constant 0 : i32
      %dma_start3A_119 = tpu.memref_slice %arg10[%dma_start3A_118] : memref<8192xf32, #tpu.memory_space<vmem_shared>> -> memref<8192xf32, #tpu.memory_space<vmem_shared>>
      tpu.enqueue_indirect_dma source(%arg8 : memref<128xf32, #tpu.memory_space<vmem>>) target(%dma_start3A_119 : memref<8192xf32, #tpu.memory_space<vmem_shared>>) offsets(%dma_start3A_117 : memref<128xi32, #tpu.memory_space<vmem>>) semaphore(%run_scoped3A_114 : memref<!tpu.dma_semaphore, #tpu.memory_space<semaphore_mem>>) {add = true}
      %dma_wait3A_120 = arith.constant 0 : i32
      %dma_wait3A_121 = tpu.memref_slice %arg6[%run_scoped3A, %dma_wait3A_120] : memref<4x128xi32, #tpu.memory_space<vmem>> -> memref<1x128xi32, #tpu.memory_space<vmem>>
      %dma_wait3A_122 = tpu.memref_squeeze %dma_wait3A_121 : memref<1x128xi32, #tpu.memory_space<vmem>> -> memref<128xi32, #tpu.memory_space<vmem>>
      %dma_wait3A_123 = arith.constant 0 : i32
      %dma_wait3A_124 = tpu.memref_slice %arg10[%dma_wait3A_123] : memref<8192xf32, #tpu.memory_space<vmem_shared>> -> memref<8192xf32, #tpu.memory_space<vmem_shared>>
      tpu.wait_indirect_dma semaphore(%run_scoped3A_114 : memref<!tpu.dma_semaphore, #tpu.memory_space<semaphore_mem>>) src(%arg8 : memref<128xf32, #tpu.memory_space<vmem>>) dst(%dma_wait3A_124 : memref<8192xf32, #tpu.memory_space<vmem_shared>>)
      tpu.yield
    }) : () -> ()
    %dma_start3A_33 = arith.constant 1 : i32
    %dma_start3A_34 = arith.constant 1 : i32
    %dma_start3A_35 = arith.constant 0 : i32
    %dma_start3A_36 = arith.constant 0 : i32
    %dma_start3A_37 = tpu.memref_slice %arg7[%dma_start3A_34, %dma_start3A_35, %dma_start3A_36] : memref<4x128x32xf32, #tpu.memory_space<vmem>> -> memref<1x128x32xf32, #tpu.memory_space<vmem>>
    %dma_start3A_38 = tpu.memref_squeeze %dma_start3A_37 : memref<1x128x32xf32, #tpu.memory_space<vmem>> -> memref<128x32xf32, #tpu.memory_space<vmem>>
    %dma_start3A_39 = arith.constant 0 : i32
    %dma_start3A_40 = tpu.memref_slice %arg6[%dma_start3A_33, %dma_start3A_39] : memref<4x128xi32, #tpu.memory_space<vmem>> -> memref<1x128xi32, #tpu.memory_space<vmem>>
    %dma_start3A_41 = tpu.memref_squeeze %dma_start3A_40 : memref<1x128xi32, #tpu.memory_space<vmem>> -> memref<128xi32, #tpu.memory_space<vmem>>
    %dma_start3A_42 = arith.constant 0 : i32
    %dma_start3A_43 = arith.constant 0 : i32
    %dma_start3A_44 = tpu.memref_slice %arg3[%dma_start3A_42, %dma_start3A_43] : memref<8192x32xf32, #tpu.memory_space<hbm>> -> memref<8192x32xf32, #tpu.memory_space<hbm>>
    tpu.enqueue_indirect_dma source(%dma_start3A_44 : memref<8192x32xf32, #tpu.memory_space<hbm>>) target(%dma_start3A_38 : memref<128x32xf32, #tpu.memory_space<vmem>>) offsets(%dma_start3A_41 : memref<128xi32, #tpu.memory_space<vmem>>) semaphore(%arg11 : memref<!tpu.dma_semaphore, #tpu.memory_space<semaphore_mem>>)
    %dma_wait3A_45 = arith.constant 1 : i32
    %dma_wait3A_46 = arith.constant 1 : i32
    %dma_wait3A_47 = arith.constant 0 : i32
    %dma_wait3A_48 = arith.constant 0 : i32
    %dma_wait3A_49 = tpu.memref_slice %arg7[%dma_wait3A_46, %dma_wait3A_47, %dma_wait3A_48] : memref<4x128x32xf32, #tpu.memory_space<vmem>> -> memref<1x128x32xf32, #tpu.memory_space<vmem>>
    %dma_wait3A_50 = tpu.memref_squeeze %dma_wait3A_49 : memref<1x128x32xf32, #tpu.memory_space<vmem>> -> memref<128x32xf32, #tpu.memory_space<vmem>>
    %dma_wait3A_51 = arith.constant 0 : i32
    %dma_wait3A_52 = tpu.memref_slice %arg6[%dma_wait3A_45, %dma_wait3A_51] : memref<4x128xi32, #tpu.memory_space<vmem>> -> memref<1x128xi32, #tpu.memory_space<vmem>>
    %dma_wait3A_53 = tpu.memref_squeeze %dma_wait3A_52 : memref<1x128xi32, #tpu.memory_space<vmem>> -> memref<128xi32, #tpu.memory_space<vmem>>
    %dma_wait3A_54 = arith.constant 0 : i32
    %dma_wait3A_55 = arith.constant 0 : i32
    %dma_wait3A_56 = tpu.memref_slice %arg3[%dma_wait3A_54, %dma_wait3A_55] : memref<8192x32xf32, #tpu.memory_space<hbm>> -> memref<8192x32xf32, #tpu.memory_space<hbm>>
    tpu.wait_indirect_dma semaphore(%arg11 : memref<!tpu.dma_semaphore, #tpu.memory_space<semaphore_mem>>) src(%dma_wait3A_56 : memref<8192x32xf32, #tpu.memory_space<hbm>>) dst(%dma_wait3A_50 : memref<128x32xf32, #tpu.memory_space<vmem>>)
    %run_scoped3A_57 = arith.constant 1 : i32
    "tpu.region"() ({
      %run_scoped3A_114 = tpu.sem_alloc : memref<!tpu.dma_semaphore, #tpu.memory_space<semaphore_mem>>
      %dma_start3A_115 = arith.constant 0 : i32
      %dma_start3A_116 = tpu.memref_slice %arg6[%run_scoped3A_57, %dma_start3A_115] : memref<4x128xi32, #tpu.memory_space<vmem>> -> memref<1x128xi32, #tpu.memory_space<vmem>>
      %dma_start3A_117 = tpu.memref_squeeze %dma_start3A_116 : memref<1x128xi32, #tpu.memory_space<vmem>> -> memref<128xi32, #tpu.memory_space<vmem>>
      %dma_start3A_118 = arith.constant 0 : i32
      %dma_start3A_119 = tpu.memref_slice %arg10[%dma_start3A_118] : memref<8192xf32, #tpu.memory_space<vmem_shared>> -> memref<8192xf32, #tpu.memory_space<vmem_shared>>
      tpu.enqueue_indirect_dma source(%arg8 : memref<128xf32, #tpu.memory_space<vmem>>) target(%dma_start3A_119 : memref<8192xf32, #tpu.memory_space<vmem_shared>>) offsets(%dma_start3A_117 : memref<128xi32, #tpu.memory_space<vmem>>) semaphore(%run_scoped3A_114 : memref<!tpu.dma_semaphore, #tpu.memory_space<semaphore_mem>>) {add = true}
      %dma_wait3A_120 = arith.constant 0 : i32
      %dma_wait3A_121 = tpu.memref_slice %arg6[%run_scoped3A_57, %dma_wait3A_120] : memref<4x128xi32, #tpu.memory_space<vmem>> -> memref<1x128xi32, #tpu.memory_space<vmem>>
      %dma_wait3A_122 = tpu.memref_squeeze %dma_wait3A_121 : memref<1x128xi32, #tpu.memory_space<vmem>> -> memref<128xi32, #tpu.memory_space<vmem>>
      %dma_wait3A_123 = arith.constant 0 : i32
      %dma_wait3A_124 = tpu.memref_slice %arg10[%dma_wait3A_123] : memref<8192xf32, #tpu.memory_space<vmem_shared>> -> memref<8192xf32, #tpu.memory_space<vmem_shared>>
      tpu.wait_indirect_dma semaphore(%run_scoped3A_114 : memref<!tpu.dma_semaphore, #tpu.memory_space<semaphore_mem>>) src(%arg8 : memref<128xf32, #tpu.memory_space<vmem>>) dst(%dma_wait3A_124 : memref<8192xf32, #tpu.memory_space<vmem_shared>>)
      tpu.yield
    }) : () -> ()
    %dma_start3A_58 = arith.constant 2 : i32
    %dma_start3A_59 = arith.constant 2 : i32
    %dma_start3A_60 = arith.constant 0 : i32
    %dma_start3A_61 = arith.constant 0 : i32
    %dma_start3A_62 = tpu.memref_slice %arg7[%dma_start3A_59, %dma_start3A_60, %dma_start3A_61] : memref<4x128x32xf32, #tpu.memory_space<vmem>> -> memref<1x128x32xf32, #tpu.memory_space<vmem>>
    %dma_start3A_63 = tpu.memref_squeeze %dma_start3A_62 : memref<1x128x32xf32, #tpu.memory_space<vmem>> -> memref<128x32xf32, #tpu.memory_space<vmem>>
    %dma_start3A_64 = arith.constant 0 : i32
    %dma_start3A_65 = tpu.memref_slice %arg6[%dma_start3A_58, %dma_start3A_64] : memref<4x128xi32, #tpu.memory_space<vmem>> -> memref<1x128xi32, #tpu.memory_space<vmem>>
    %dma_start3A_66 = tpu.memref_squeeze %dma_start3A_65 : memref<1x128xi32, #tpu.memory_space<vmem>> -> memref<128xi32, #tpu.memory_space<vmem>>
    %dma_start3A_67 = arith.constant 0 : i32
    %dma_start3A_68 = arith.constant 0 : i32
    %dma_start3A_69 = tpu.memref_slice %arg3[%dma_start3A_67, %dma_start3A_68] : memref<8192x32xf32, #tpu.memory_space<hbm>> -> memref<8192x32xf32, #tpu.memory_space<hbm>>
    tpu.enqueue_indirect_dma source(%dma_start3A_69 : memref<8192x32xf32, #tpu.memory_space<hbm>>) target(%dma_start3A_63 : memref<128x32xf32, #tpu.memory_space<vmem>>) offsets(%dma_start3A_66 : memref<128xi32, #tpu.memory_space<vmem>>) semaphore(%arg11 : memref<!tpu.dma_semaphore, #tpu.memory_space<semaphore_mem>>)
    %dma_wait3A_70 = arith.constant 2 : i32
    %dma_wait3A_71 = arith.constant 2 : i32
    %dma_wait3A_72 = arith.constant 0 : i32
    %dma_wait3A_73 = arith.constant 0 : i32
    %dma_wait3A_74 = tpu.memref_slice %arg7[%dma_wait3A_71, %dma_wait3A_72, %dma_wait3A_73] : memref<4x128x32xf32, #tpu.memory_space<vmem>> -> memref<1x128x32xf32, #tpu.memory_space<vmem>>
    %dma_wait3A_75 = tpu.memref_squeeze %dma_wait3A_74 : memref<1x128x32xf32, #tpu.memory_space<vmem>> -> memref<128x32xf32, #tpu.memory_space<vmem>>
    %dma_wait3A_76 = arith.constant 0 : i32
    %dma_wait3A_77 = tpu.memref_slice %arg6[%dma_wait3A_70, %dma_wait3A_76] : memref<4x128xi32, #tpu.memory_space<vmem>> -> memref<1x128xi32, #tpu.memory_space<vmem>>
    %dma_wait3A_78 = tpu.memref_squeeze %dma_wait3A_77 : memref<1x128xi32, #tpu.memory_space<vmem>> -> memref<128xi32, #tpu.memory_space<vmem>>
    %dma_wait3A_79 = arith.constant 0 : i32
    %dma_wait3A_80 = arith.constant 0 : i32
    %dma_wait3A_81 = tpu.memref_slice %arg3[%dma_wait3A_79, %dma_wait3A_80] : memref<8192x32xf32, #tpu.memory_space<hbm>> -> memref<8192x32xf32, #tpu.memory_space<hbm>>
    tpu.wait_indirect_dma semaphore(%arg11 : memref<!tpu.dma_semaphore, #tpu.memory_space<semaphore_mem>>) src(%dma_wait3A_81 : memref<8192x32xf32, #tpu.memory_space<hbm>>) dst(%dma_wait3A_75 : memref<128x32xf32, #tpu.memory_space<vmem>>)
    %run_scoped3A_82 = arith.constant 2 : i32
    "tpu.region"() ({
      %run_scoped3A_114 = tpu.sem_alloc : memref<!tpu.dma_semaphore, #tpu.memory_space<semaphore_mem>>
      %dma_start3A_115 = arith.constant 0 : i32
      %dma_start3A_116 = tpu.memref_slice %arg6[%run_scoped3A_82, %dma_start3A_115] : memref<4x128xi32, #tpu.memory_space<vmem>> -> memref<1x128xi32, #tpu.memory_space<vmem>>
      %dma_start3A_117 = tpu.memref_squeeze %dma_start3A_116 : memref<1x128xi32, #tpu.memory_space<vmem>> -> memref<128xi32, #tpu.memory_space<vmem>>
      %dma_start3A_118 = arith.constant 0 : i32
      %dma_start3A_119 = tpu.memref_slice %arg10[%dma_start3A_118] : memref<8192xf32, #tpu.memory_space<vmem_shared>> -> memref<8192xf32, #tpu.memory_space<vmem_shared>>
      tpu.enqueue_indirect_dma source(%arg8 : memref<128xf32, #tpu.memory_space<vmem>>) target(%dma_start3A_119 : memref<8192xf32, #tpu.memory_space<vmem_shared>>) offsets(%dma_start3A_117 : memref<128xi32, #tpu.memory_space<vmem>>) semaphore(%run_scoped3A_114 : memref<!tpu.dma_semaphore, #tpu.memory_space<semaphore_mem>>) {add = true}
      %dma_wait3A_120 = arith.constant 0 : i32
      %dma_wait3A_121 = tpu.memref_slice %arg6[%run_scoped3A_82, %dma_wait3A_120] : memref<4x128xi32, #tpu.memory_space<vmem>> -> memref<1x128xi32, #tpu.memory_space<vmem>>
      %dma_wait3A_122 = tpu.memref_squeeze %dma_wait3A_121 : memref<1x128xi32, #tpu.memory_space<vmem>> -> memref<128xi32, #tpu.memory_space<vmem>>
      %dma_wait3A_123 = arith.constant 0 : i32
      %dma_wait3A_124 = tpu.memref_slice %arg10[%dma_wait3A_123] : memref<8192xf32, #tpu.memory_space<vmem_shared>> -> memref<8192xf32, #tpu.memory_space<vmem_shared>>
      tpu.wait_indirect_dma semaphore(%run_scoped3A_114 : memref<!tpu.dma_semaphore, #tpu.memory_space<semaphore_mem>>) src(%arg8 : memref<128xf32, #tpu.memory_space<vmem>>) dst(%dma_wait3A_124 : memref<8192xf32, #tpu.memory_space<vmem_shared>>)
      tpu.yield
    }) : () -> ()
    %dma_start3A_83 = arith.constant 3 : i32
    %dma_start3A_84 = arith.constant 3 : i32
    %dma_start3A_85 = arith.constant 0 : i32
    %dma_start3A_86 = arith.constant 0 : i32
    %dma_start3A_87 = tpu.memref_slice %arg7[%dma_start3A_84, %dma_start3A_85, %dma_start3A_86] : memref<4x128x32xf32, #tpu.memory_space<vmem>> -> memref<1x128x32xf32, #tpu.memory_space<vmem>>
    %dma_start3A_88 = tpu.memref_squeeze %dma_start3A_87 : memref<1x128x32xf32, #tpu.memory_space<vmem>> -> memref<128x32xf32, #tpu.memory_space<vmem>>
    %dma_start3A_89 = arith.constant 0 : i32
    %dma_start3A_90 = tpu.memref_slice %arg6[%dma_start3A_83, %dma_start3A_89] : memref<4x128xi32, #tpu.memory_space<vmem>> -> memref<1x128xi32, #tpu.memory_space<vmem>>
    %dma_start3A_91 = tpu.memref_squeeze %dma_start3A_90 : memref<1x128xi32, #tpu.memory_space<vmem>> -> memref<128xi32, #tpu.memory_space<vmem>>
    %dma_start3A_92 = arith.constant 0 : i32
    %dma_start3A_93 = arith.constant 0 : i32
    %dma_start3A_94 = tpu.memref_slice %arg3[%dma_start3A_92, %dma_start3A_93] : memref<8192x32xf32, #tpu.memory_space<hbm>> -> memref<8192x32xf32, #tpu.memory_space<hbm>>
    tpu.enqueue_indirect_dma source(%dma_start3A_94 : memref<8192x32xf32, #tpu.memory_space<hbm>>) target(%dma_start3A_88 : memref<128x32xf32, #tpu.memory_space<vmem>>) offsets(%dma_start3A_91 : memref<128xi32, #tpu.memory_space<vmem>>) semaphore(%arg11 : memref<!tpu.dma_semaphore, #tpu.memory_space<semaphore_mem>>)
    %dma_wait3A_95 = arith.constant 3 : i32
    %dma_wait3A_96 = arith.constant 3 : i32
    %dma_wait3A_97 = arith.constant 0 : i32
    %dma_wait3A_98 = arith.constant 0 : i32
    %dma_wait3A_99 = tpu.memref_slice %arg7[%dma_wait3A_96, %dma_wait3A_97, %dma_wait3A_98] : memref<4x128x32xf32, #tpu.memory_space<vmem>> -> memref<1x128x32xf32, #tpu.memory_space<vmem>>
    %dma_wait3A_100 = tpu.memref_squeeze %dma_wait3A_99 : memref<1x128x32xf32, #tpu.memory_space<vmem>> -> memref<128x32xf32, #tpu.memory_space<vmem>>
    %dma_wait3A_101 = arith.constant 0 : i32
    %dma_wait3A_102 = tpu.memref_slice %arg6[%dma_wait3A_95, %dma_wait3A_101] : memref<4x128xi32, #tpu.memory_space<vmem>> -> memref<1x128xi32, #tpu.memory_space<vmem>>
    %dma_wait3A_103 = tpu.memref_squeeze %dma_wait3A_102 : memref<1x128xi32, #tpu.memory_space<vmem>> -> memref<128xi32, #tpu.memory_space<vmem>>
    %dma_wait3A_104 = arith.constant 0 : i32
    %dma_wait3A_105 = arith.constant 0 : i32
    %dma_wait3A_106 = tpu.memref_slice %arg3[%dma_wait3A_104, %dma_wait3A_105] : memref<8192x32xf32, #tpu.memory_space<hbm>> -> memref<8192x32xf32, #tpu.memory_space<hbm>>
    tpu.wait_indirect_dma semaphore(%arg11 : memref<!tpu.dma_semaphore, #tpu.memory_space<semaphore_mem>>) src(%dma_wait3A_106 : memref<8192x32xf32, #tpu.memory_space<hbm>>) dst(%dma_wait3A_100 : memref<128x32xf32, #tpu.memory_space<vmem>>)
    %run_scoped3A_107 = arith.constant 3 : i32
    "tpu.region"() ({
      %run_scoped3A_114 = tpu.sem_alloc : memref<!tpu.dma_semaphore, #tpu.memory_space<semaphore_mem>>
      %dma_start3A_115 = arith.constant 0 : i32
      %dma_start3A_116 = tpu.memref_slice %arg6[%run_scoped3A_107, %dma_start3A_115] : memref<4x128xi32, #tpu.memory_space<vmem>> -> memref<1x128xi32, #tpu.memory_space<vmem>>
      %dma_start3A_117 = tpu.memref_squeeze %dma_start3A_116 : memref<1x128xi32, #tpu.memory_space<vmem>> -> memref<128xi32, #tpu.memory_space<vmem>>
      %dma_start3A_118 = arith.constant 0 : i32
      %dma_start3A_119 = tpu.memref_slice %arg10[%dma_start3A_118] : memref<8192xf32, #tpu.memory_space<vmem_shared>> -> memref<8192xf32, #tpu.memory_space<vmem_shared>>
      tpu.enqueue_indirect_dma source(%arg8 : memref<128xf32, #tpu.memory_space<vmem>>) target(%dma_start3A_119 : memref<8192xf32, #tpu.memory_space<vmem_shared>>) offsets(%dma_start3A_117 : memref<128xi32, #tpu.memory_space<vmem>>) semaphore(%run_scoped3A_114 : memref<!tpu.dma_semaphore, #tpu.memory_space<semaphore_mem>>) {add = true}
      %dma_wait3A_120 = arith.constant 0 : i32
      %dma_wait3A_121 = tpu.memref_slice %arg6[%run_scoped3A_107, %dma_wait3A_120] : memref<4x128xi32, #tpu.memory_space<vmem>> -> memref<1x128xi32, #tpu.memory_space<vmem>>
      %dma_wait3A_122 = tpu.memref_squeeze %dma_wait3A_121 : memref<1x128xi32, #tpu.memory_space<vmem>> -> memref<128xi32, #tpu.memory_space<vmem>>
      %dma_wait3A_123 = arith.constant 0 : i32
      %dma_wait3A_124 = tpu.memref_slice %arg10[%dma_wait3A_123] : memref<8192xf32, #tpu.memory_space<vmem_shared>> -> memref<8192xf32, #tpu.memory_space<vmem_shared>>
      tpu.wait_indirect_dma semaphore(%run_scoped3A_114 : memref<!tpu.dma_semaphore, #tpu.memory_space<semaphore_mem>>) src(%arg8 : memref<128xf32, #tpu.memory_space<vmem>>) dst(%dma_wait3A_124 : memref<8192xf32, #tpu.memory_space<vmem_shared>>)
      tpu.yield
    }) : () -> ()
    "tpu.region"() ({
      %run_scoped3A_114 = tpu.sem_alloc : memref<!tpu.dma_semaphore, #tpu.memory_space<semaphore_mem>>
      %dma_start3A_115 = arith.constant 0 : i32
      %dma_start3A_116 = arith.constant 0 : i32
      %dma_start3A_117 = tpu.memref_slice %arg4[%mul3A_2, %dma_start3A_115, %dma_start3A_116] : memref<128x128x32xf32, #tpu.memory_space<hbm>> -> memref<4x128x32xf32, #tpu.memory_space<hbm>>
      %dma_start3A_118 = arith.constant 0 : i32
      %dma_start3A_119 = arith.constant 0 : i32
      %dma_start3A_120 = tpu.memref_slice %arg4[%mul3A_2, %dma_start3A_118, %dma_start3A_119] : memref<128x128x32xf32, #tpu.memory_space<hbm>> -> memref<4x128x32xf32, #tpu.memory_space<hbm>>
      tpu.enqueue_dma source(%arg7 : memref<4x128x32xf32, #tpu.memory_space<vmem>>) target(%dma_start3A_120 : memref<4x128x32xf32, #tpu.memory_space<hbm>>) target_semaphore(%run_scoped3A_114 : memref<!tpu.dma_semaphore, #tpu.memory_space<semaphore_mem>>)
      %dma_wait3A_121 = arith.constant 0 : i32
      %dma_wait3A_122 = arith.constant 0 : i32
      %dma_wait3A_123 = tpu.memref_slice %arg4[%mul3A_2, %dma_wait3A_121, %dma_wait3A_122] : memref<128x128x32xf32, #tpu.memory_space<hbm>> -> memref<4x128x32xf32, #tpu.memory_space<hbm>>
      %dma_wait3A_124 = arith.constant 0 : i32
      %dma_wait3A_125 = arith.constant 0 : i32
      %dma_wait3A_126 = tpu.memref_slice %arg4[%mul3A_2, %dma_wait3A_124, %dma_wait3A_125] : memref<128x128x32xf32, #tpu.memory_space<hbm>> -> memref<4x128x32xf32, #tpu.memory_space<hbm>>
      tpu.wait_dma2 semaphore(%run_scoped3A_114 : memref<!tpu.dma_semaphore, #tpu.memory_space<semaphore_mem>>) src(%arg7 : memref<4x128x32xf32, #tpu.memory_space<vmem>>) dst(%dma_wait3A_126 : memref<4x128x32xf32, #tpu.memory_space<hbm>>)
      tpu.yield
    }) : () -> ()
    %barrier3A_108 = arith.constant 0 : index
    tpu.barrier barrier_id(%barrier3A_108)
    %eq3A_109 = arith.constant 0 : i32
    %eq3A_110 = arith.cmpi eq, %arg1, %eq3A_109 : i32
    %convert_element_type3A_111 = arith.extui %eq3A_110 : i1 to i32
    %cond3A_112 = arith.constant 0 : i32
    %cond3A_113 = arith.cmpi ne, %convert_element_type3A_111, %cond3A_112 : i32
    scf.if %cond3A_113 {
      "tpu.region"() ({
        %run_scoped3A_114 = tpu.sem_alloc : memref<!tpu.dma_semaphore, #tpu.memory_space<semaphore_mem>>
        %dma_start3A_115 = arith.constant 0 : i32
        %dma_start3A_116 = tpu.memref_slice %arg5[%arg0, %dma_start3A_115] : memref<2x8192xf32, #tpu.memory_space<hbm>> -> memref<1x8192xf32, #tpu.memory_space<hbm>>
        %dma_start3A_117 = tpu.memref_squeeze %dma_start3A_116 : memref<1x8192xf32, #tpu.memory_space<hbm>> -> memref<8192xf32, #tpu.memory_space<hbm>>
        tpu.enqueue_dma source(%arg10 : memref<8192xf32, #tpu.memory_space<vmem_shared>>) target(%dma_start3A_117 : memref<8192xf32, #tpu.memory_space<hbm>>) target_semaphore(%run_scoped3A_114 : memref<!tpu.dma_semaphore, #tpu.memory_space<semaphore_mem>>)
        %dma_wait3A_118 = arith.constant 0 : i32
        %dma_wait3A_119 = tpu.memref_slice %arg5[%arg0, %dma_wait3A_118] : memref<2x8192xf32, #tpu.memory_space<hbm>> -> memref<1x8192xf32, #tpu.memory_space<hbm>>
        %dma_wait3A_120 = tpu.memref_squeeze %dma_wait3A_119 : memref<1x8192xf32, #tpu.memory_space<hbm>> -> memref<8192xf32, #tpu.memory_space<hbm>>
        tpu.wait_dma2 semaphore(%run_scoped3A_114 : memref<!tpu.dma_semaphore, #tpu.memory_space<semaphore_mem>>) src(%arg10 : memref<8192xf32, #tpu.memory_space<vmem_shared>>) dst(%dma_wait3A_120 : memref<8192xf32, #tpu.memory_space<hbm>>)
        tpu.yield
      }) : () -> ()
    } else {
    }
    return
  }
}

module attributes {stable_mosaic.version = 14 : i64} {
  func.func @_losspart_body(%arg0: i32, %arg1: memref<1024x32xf32, #tpu.memory_space<vmem>>, %arg2: memref<1024x32xf32, #tpu.memory_space<vmem>>, %arg3: memref<1x1x1xf32, #tpu.memory_space<smem>>) attributes {dimension_semantics = [#tpu.dimension_semantics<arbitrary>], iteration_bounds = array<i64: 16>, scalar_prefetch = 0 : i64, scratch_operands = 0 : i64, tpu.core_type = #tpu.core_type<tc>, window_params = [{transform_indices = @transform_0, window_bounds = array<i64: 1024, 32>}, {transform_indices = @transform_1, window_bounds = array<i64: 1024, 32>}, {transform_indices = @transform_2, window_bounds = array<i64: 1, 1, 1>}]} {
    %get3A = arith.constant 0 : index
    %get3A_0 = arith.constant 0 : index
    %get3A_1 = vector.load %arg1[%get3A, %get3A_0] : memref<1024x32xf32, #tpu.memory_space<vmem>>, vector<1024x32xf32>
    %get3A_2 = arith.constant 0 : index
    %get3A_3 = arith.constant 0 : index
    %get3A_4 = vector.load %arg2[%get3A_2, %get3A_3] : memref<1024x32xf32, #tpu.memory_space<vmem>>, vector<1024x32xf32>
    %sub3A = arith.subf %get3A_1, %get3A_4 : vector<1024x32xf32>
    %mul3A = arith.mulf %sub3A, %sub3A : vector<1024x32xf32>
    %reduce_sum3A = vector.shape_cast %mul3A : vector<1024x32xf32> to vector<1x1024x32xf32>
    %reduce_sum3A_5 = arith.constant dense<0.000000e+00> : vector<1xf32>
    %reduce_sum3A_6 = vector.multi_reduction <add>, %reduce_sum3A, %reduce_sum3A_5 [1, 2] : vector<1x1024x32xf32> to vector<1xf32>
    %reduce_sum3A_7 = vector.shape_cast %reduce_sum3A_6 : vector<1xf32> to vector<1x1x1xf32>
    %reduce_sum3A_8 = vector.extract %reduce_sum3A_7[0, 0, 0] : f32 from vector<1x1x1xf32>
    %swap3A = arith.constant 0 : index
    %swap3A_9 = arith.constant 0 : index
    %swap3A_10 = arith.constant 0 : index
    %swap3A_11 = memref.load %arg3[%swap3A, %swap3A_9, %swap3A_10] : memref<1x1x1xf32, #tpu.memory_space<smem>>
    memref.store %reduce_sum3A_8, %arg3[%swap3A, %swap3A_9, %swap3A_10] : memref<1x1x1xf32, #tpu.memory_space<smem>>
    return
  }
  func.func @transform_0(%arg0: i32) -> (i32, i32) {
    %c0_i32 = arith.constant 0 : i32
    %c0_i32_0 = arith.constant 0 : i32
    return %arg0, %c0_i32 : i32, i32
  }
  func.func @transform_1(%arg0: i32) -> (i32, i32) {
    %c0_i32 = arith.constant 0 : i32
    %c0_i32_0 = arith.constant 0 : i32
    return %arg0, %c0_i32 : i32, i32
  }
  func.func @transform_2(%arg0: i32) -> (i32, i32, i32) {
    %c0_i32 = arith.constant 0 : i32
    %c0_i32_0 = arith.constant 0 : i32
    %c0_i32_1 = arith.constant 0 : i32
    return %arg0, %c0_i32, %c0_i32_0 : i32, i32, i32
  }
}

module attributes {stable_mosaic.version = 14 : i64} {
  func.func @_fin_body(%arg0: memref<2x8192xf32, #tpu.memory_space<vmem>>, %arg1: memref<16x1xf32, #tpu.memory_space<vmem>>, %arg2: memref<1x1xf32, #tpu.memory_space<vmem>>, %arg3: memref<1x1xf32, #tpu.memory_space<vmem>>) attributes {dimension_semantics = [], scalar_prefetch = 0 : i64, scratch_operands = 0 : i64, tpu.core_type = #tpu.core_type<tc>} {
    %get3A = arith.constant 0 : index
    %get3A_0 = arith.constant 0 : index
    %get3A_1 = vector.load %arg0[%get3A, %get3A_0] : memref<2x8192xf32, #tpu.memory_space<vmem>>, vector<2x8192xf32>
    %slice3A = vector.extract_strided_slice %get3A_1 {offsets = [0, 0], sizes = [1, 8192], strides = [1, 1]} : vector<2x8192xf32> to vector<1x8192xf32>
    %slice3A_2 = vector.extract_strided_slice %get3A_1 {offsets = [1, 0], sizes = [1, 8192], strides = [1, 1]} : vector<2x8192xf32> to vector<1x8192xf32>
    %add3A = arith.addf %slice3A, %slice3A_2 : vector<1x8192xf32>
    %mul3A = arith.constant 6.10351563E-5 : f32
    %mul3A_3 = vector.broadcast %mul3A : f32 to vector<1x8192xf32>
    %mul3A_4 = arith.mulf %add3A, %mul3A_3 : vector<1x8192xf32>
    %add3A_5 = arith.constant 1.000000e-10 : f32
    %add3A_6 = vector.broadcast %add3A_5 : f32 to vector<1x8192xf32>
    %add3A_7 = arith.addf %mul3A_4, %add3A_6 : vector<1x8192xf32>
    %log3A = math.log %add3A_7 : vector<1x8192xf32>
    %mul3A_8 = arith.mulf %mul3A_4, %log3A : vector<1x8192xf32>
    %reduce_sum3A = vector.shape_cast %mul3A_8 : vector<1x8192xf32> to vector<1x1x8192xf32>
    %reduce_sum3A_9 = arith.constant dense<0.000000e+00> : vector<1xf32>
    %reduce_sum3A_10 = vector.multi_reduction <add>, %reduce_sum3A, %reduce_sum3A_9 [1, 2] : vector<1x1x8192xf32> to vector<1xf32>
    %reduce_sum3A_11 = vector.shape_cast %reduce_sum3A_10 : vector<1xf32> to vector<1x1x1xf32>
    %reduce_sum3A_12 = vector.extract %reduce_sum3A_11[0, 0, 0] : f32 from vector<1x1x1xf32>
    %neg3A = arith.constant 0.000000e+00 : f32
    %neg3A_13 = arith.subf %neg3A, %reduce_sum3A_12 : f32
    %exp3A = math.exp %neg3A_13 : f32
    %get3A_14 = arith.constant 0 : index
    %get3A_15 = arith.constant 0 : index
    %get3A_16 = vector.load %arg1[%get3A_14, %get3A_15] : memref<16x1xf32, #tpu.memory_space<vmem>>, vector<16x1xf32>
    %reduce_sum3A_17 = vector.shape_cast %get3A_16 : vector<16x1xf32> to vector<1x16x1xf32>
    %reduce_sum3A_18 = arith.constant dense<0.000000e+00> : vector<1xf32>
    %reduce_sum3A_19 = vector.multi_reduction <add>, %reduce_sum3A_17, %reduce_sum3A_18 [1, 2] : vector<1x16x1xf32> to vector<1xf32>
    %reduce_sum3A_20 = vector.shape_cast %reduce_sum3A_19 : vector<1xf32> to vector<1x1x1xf32>
    %reduce_sum3A_21 = vector.extract %reduce_sum3A_20[0, 0, 0] : f32 from vector<1x1x1xf32>
    %div3A = arith.constant 5.242880e+05 : f32
    %div3A_22 = arith.divf %reduce_sum3A_21, %div3A : f32
    %mul3A_23 = arith.constant 2.500000e-01 : f32
    %mul3A_24 = arith.mulf %mul3A_23, %div3A_22 : f32
    %broadcast_in_dim3A = arith.constant 0.000000e+00 : f32
    %broadcast_in_dim3A_25 = vector.broadcast %broadcast_in_dim3A : f32 to vector<1x1xf32>
    %add3A_26 = vector.broadcast %mul3A_24 : f32 to vector<1x1xf32>
    %add3A_27 = arith.addf %broadcast_in_dim3A_25, %add3A_26 : vector<1x1xf32>
    %swap3A = arith.constant 0 : index
    %swap3A_28 = arith.constant 0 : index
    %swap3A_29 = vector.load %arg2[%swap3A, %swap3A_28] : memref<1x1xf32, #tpu.memory_space<vmem>>, vector<1x1xf32>
    tpu.vector_store %arg2[%swap3A, %swap3A_28], %add3A_27 {strides = array<i32>} : memref<1x1xf32, #tpu.memory_space<vmem>>, vector<1x1xf32>,
    %broadcast_in_dim3A_30 = arith.constant 0.000000e+00 : f32
    %broadcast_in_dim3A_31 = vector.broadcast %broadcast_in_dim3A_30 : f32 to vector<1x1xf32>
    %add3A_32 = vector.broadcast %exp3A : f32 to vector<1x1xf32>
    %add3A_33 = arith.addf %broadcast_in_dim3A_31, %add3A_32 : vector<1x1xf32>
    %swap3A_34 = arith.constant 0 : index
    %swap3A_35 = arith.constant 0 : index
    %swap3A_36 = vector.load %arg3[%swap3A_34, %swap3A_35] : memref<1x1xf32, #tpu.memory_space<vmem>>, vector<1x1xf32>
    tpu.vector_store %arg3[%swap3A_34, %swap3A_35], %add3A_33 {strides = array<i32>} : memref<1x1xf32, #tpu.memory_space<vmem>>, vector<1x1xf32>,
    return
  }
}

</mosaic_0001>

<sc_bundles>
// kernel: kernel.5.cloned.1.call-start
scs
__scs_entry_jumppad:
0x0: {  	(pc) =	sbr.rel $0x88, $3  }
0x1: {  	(tag) =	ssettag $0x0;
	lr =	simm.s32 $0x1  }
0x2: {  	[smem:$0x3F9F] =	sst lr;
	_ =	strace $0xD0000000  }
0x3: {  	_ = 	snop  }
0x4: {  	_ = 	snop  }
0x5: {  	_ = 	snop  }
0x6: {  	_ = 	snop  }
0x7: {  	_ = 	snop  }
__scs_overlays_trampoline_lowered:
0x8: {  	[smem:$0x3FAE] =	sst s0  }
0x9: {  	[smem:$0x3FAF] =	sst s1  }
0xa: {  	[smem:$0x3FB0] =	sst s2  }
0xb: {  	[smem:$0x3FB1] =	sst s3  }
0xc: {  	[smem:$0x3FB2] =	sst s4  }
0xd: {  	[smem:$0x3FB3] =	sst s5  }
0xe: {  	[smem:$0x3FB4] =	sst s6  }
0xf: {  	[smem:$0x3FB5] =	sst s7  }
0x10: {  	[smem:$0x3FB6] =	sst s8  }
0x11: {  	[smem:$0x3FB7] =	sst s9;
	s0 =	simm.s32 @!p0 $0x0  }
0x12: {  	s1 =	sld [smem:$0x3F9D];
	s0 =	simm.s32 @p0 $0x1  }
0x13: {  	[smem:$0x3FB8] =	sst s0;
	s0 =	simm.s32 @!p1 $0x0  }
0x14: {  	s2 =	sld [smem:$0x3F9C];
	s0 =	simm.s32 @p1 $0x1  }
0x15: {  	[smem:$0x3FB9] =	sst s0;
	s0 =	simm.s32 @!p2 $0x0  }
0x16: {  	s3 =	sld [smem:$0x3FDB];
	s0 =	simm.s32 @p2 $0x1  }
0x17: {  	s4 =	simm.s32 $0x1BF5;
	[smem:$0x3FBB] =	sst s0  }
0x18: {  	s0 =	sld [smem:$0x3F9E];
	_ =	swait.ge [sflag:s4], $0x0  }
0x19: {  	s7 =	sld [smem:$0x3F9F]  }
0x1a: {  	s8 =	sadd.s32 $0xFFFFE003, lr  }
0x1b: {  	s9 =	sadd.s32 $0xFFFFFEF7, lr;
	s5 =	simm.s32 $0xFFFFFFFF;
	p2 =	slt.u32 s8, $0xFFFFF086  }
0x1c: {  	p1 =	slt.u32 s9, $0xF7A;
	s5 =	simm.s32 @!p2 $0x0  }
0x1d: {  	s5 =	simm.s32 @p1 $0x1;
	p0 =	seq.s32 s7, s2  }
0x1e: {  	s7 =	smul.u32 @!p0 $0xF7A, s2;
	p2 =	seq.s32 @!p0 s5, $0x0  }
0x1f: {  	s9 =	smul.u32 $0xF7A, s1;
	s8 =	simm.s32 @!p0 $0x1BF5;
	p2 =	por !p2, p0  }
0x20: {  	[sflag:s8] =	ssyncset.s32 @!p0 $0xFFFFF086;
	s6 =	sadd.s32 @!p0 s3, s7;
	s7 =	simm.s32 @!p0 $0x108  }
0x21: {  	s3 =	sadd.s32 s3, s9;
	s6 =	sadd.s32 @!p0 $0x88, s6;
	s7 =	simm.s32 @p2 $0x1082  }
0x22: {  	[simem:s7], [sflag:s8] =	dma.local @!p0 [hbm:s6], $0xF7A  }
0x23: {  	s9 =	sor.u32 $0xD0000000, s2;
	s6 =	simm.s32 $0x108;
	_ =	swait.ge @!p0 [sflag:s8], $0x0  }
0x24: {  	s3 =	sadd.s32 $0x88, s3;
	s6 =	simm.s32 @!p1 $0x1082;
	[sflag:s4] =	ssyncset.s32 $0xFFFFF086  }
0x25: {  	[simem:s6], [sflag:s4] =	dma.local [hbm:s3], $0xF7A  }
0x26: {  	[smem:$0x3F9F] =	sst s1;
	(tag) =	ssettag s2;
	_ =	strace s9  }
0x27: {  	s1 =	sld [smem:$0x3FAF]  }
0x28: {  	s2 =	sld [smem:$0x3FB0]  }
0x29: {  	s4 =	sld [smem:$0x3FB2]  }
0x2a: {  	p0 =	seq.s32 s5, $0x0;
	s5 =	sld [smem:$0x3FB3]  }
0x2b: {  	s6 =	sld [smem:$0x3FB4]  }
0x2c: {  	s7 =	sld [smem:$0x3FB5]  }
0x2d: {  	s3 =	simm.s32 $0x108;
	s8 =	sld [smem:$0x3FB6]  }
0x2e: {  	s3 =	simm.s32 @!p0 $0x1082;
	s9 =	sld [smem:$0x3FB7]  }
0x2f: {  	lr =	sadd.s32 s0, s3;
	s0 =	sld [smem:$0x3FAE]  }
0x30: {  	s3 =	sld [smem:$0x3FB1]  }
0x31: {  	[smem:$0x3FBA] =	sst s10  }
0x32: {  	s10 =	sld [smem:$0x3FB8];
	_ =	sdelay $0x3  }
0x33: {  	p0 =	seq.s32 s10, $0x1;
	s10 =	sld [smem:$0x3FBA];
	_ =	sdelay $0x3  }
0x34: {  	[smem:$0x3FBA] =	sst s10  }
0x35: {  	s10 =	sld [smem:$0x3FB9];
	_ =	sdelay $0x3  }
0x36: {  	p1 =	seq.s32 s10, $0x1;
	s10 =	sld [smem:$0x3FBA];
	_ =	sdelay $0x3  }
0x37: {  	[smem:$0x3FBA] =	sst s10  }
0x38: {  	s10 =	sld [smem:$0x3FBB]  }
0x39: {  	_ = 	snop;
	(pc) =	sbr.ind lr, $3  }
0x3a: {  	_ = 	snop  }
0x3b: {  	_ = 	snop  }
0x3c: {  	p2 =	seq.s32 s10, $0x1;
	s10 =	sld [smem:$0x3FBA]  }
0x3d: {  	_ =	shalt  }
0x3e: {  	_ =	shalt  }
0x3f: {  	_ =	shalt  }
0x40: {  	_ =	shalt  }
0x41: {  	_ =	shalt  }
0x42: {  	_ =	shalt  }
0x43: {  	_ =	shalt  }
0x44: {  	_ =	shalt  }
0x45: {  	_ =	shalt  }
0x46: {  	_ =	shalt  }
0x47: {  	_ =	shalt  }
0x48: {  	_ =	shalt  }
0x49: {  	_ =	shalt  }
0x4a: {  	_ =	shalt  }
0x4b: {  	_ =	shalt  }
0x4c: {  	_ =	shalt  }
0x4d: {  	_ =	shalt  }
0x4e: {  	_ =	shalt  }
0x4f: {  	_ =	shalt  }
0x50: {  	_ =	shalt  }
0x51: {  	_ =	shalt  }
0x52: {  	_ =	shalt  }
0x53: {  	_ =	shalt  }
0x54: {  	_ =	shalt  }
0x55: {  	_ =	shalt  }
0x56: {  	_ =	shalt  }
0x57: {  	_ =	shalt  }
0x58: {  	_ =	shalt  }
0x59: {  	_ =	shalt  }
0x5a: {  	_ =	shalt  }
0x5b: {  	_ =	shalt  }
0x5c: {  	_ =	shalt  }
0x5d: {  	_ =	shalt  }
0x5e: {  	_ =	shalt  }
0x5f: {  	_ =	shalt  }
0x60: {  	_ =	shalt  }
0x61: {  	_ =	shalt  }
0x62: {  	_ =	shalt  }
0x63: {  	_ =	shalt  }
0x64: {  	_ =	shalt  }
0x65: {  	_ =	shalt  }
0x66: {  	_ =	shalt  }
0x67: {  	_ =	shalt  }
0x68: {  	_ =	shalt  }
0x69: {  	_ =	shalt  }
0x6a: {  	_ =	shalt  }
0x6b: {  	_ =	shalt  }
0x6c: {  	_ =	shalt  }
0x6d: {  	_ =	shalt  }
0x6e: {  	_ =	shalt  }
0x6f: {  	_ =	shalt  }
0x70: {  	_ =	shalt  }
0x71: {  	_ =	shalt  }
0x72: {  	_ =	shalt  }
0x73: {  	_ =	shalt  }
0x74: {  	_ =	shalt  }
0x75: {  	_ =	shalt  }
0x76: {  	_ =	shalt  }
0x77: {  	_ =	shalt  }
0x78: {  	_ =	shalt  }
0x79: {  	_ =	shalt  }
0x7a: {  	_ =	shalt  }
0x7b: {  	_ =	shalt  }
0x7c: {  	_ =	shalt  }
0x7d: {  	_ =	shalt  }
0x7e: {  	_ =	shalt  }
0x7f: {  	_ =	shalt  }
0x80: {  	_ =	shalt  }
0x81: {  	_ =	shalt  }
0x82: {  	_ =	shalt  }
0x83: {  	_ =	shalt  }
0x84: {  	_ =	shalt  }
0x85: {  	_ =	shalt  }
0x86: {  	_ =	shalt  }
0x87: {  	_ =	shalt  }
.Lfunc_end0:
.L_simem_size_0:
called_computation_lowered:
.L_overlay_start_0:
0x88: {  	s2 =	sld [smem:$0x3FD9]  }
0x89: {  	s3 =	sld [smem:$0x3FFE];
	_ =	sdelay $0x1  }
0x8a: {  	s1 =	srdreg.scid  }
0x8b: {  	s0 =	sand.u32 $0x1, s1  }
0x8c: {  	s14 =	sshll.u32 s0, $0xA;
	s2 =	sadd.s32 s3, s2  }
0x8d: {  	s2 =	sadd.s32 s2, s14  }
0x8e: {  	[smem:$0x3FC6] =	sst s2  }
0x8f: {  	_ = 	snop  }
0x90: {  	s2 =	sld [smem:$0x3FD0];
	_ =	sdelay $0x2  }
0x91: {  	s15 =	simm.s32 $0xA;
	s4 =	simm.s32 $0x10  }
0x92: {  	[smem:s4], [sflag:s15] =	dma.local [hbm:s2], $0x1  }
0x93: {  	_ =	swait.eq [sflag:s15], $0x1  }
0x94: {  	[sflag:s15] =	ssyncset.done $0x0  }
0x95: {  	[sflag:s15] =	ssyncadd.s32 $0xFFFFFFFF  }
0x96: {  	s16 =	sld [smem:$0x10];
	(tm) =	ssettm $0x1  }
0x97: {  	s17 =	sld [smem:$0x3FFB];
	_ =	sdelay $0x3  }
0x98: {  	_ =	strace s17  }
0x99: {  	s3 =	sld [smem:$0x3FFC];
	_ =	sdelay $0x3  }
0x9a: {  	_ =	strace s3  }
0x9b: {  	s3 =	sld [smem:$0x3FFD];
	_ =	sdelay $0x3  }
0x9c: {  	_ =	strace s3  }
0x9d: {  	_ =	strace $0x8FFFFFFF  }
0x9e: {  	s18 =	sld [smem:$0x3FDB];
	_ =	sdelay $0x1  }
0x9f: {  	s19 =	simm.s32 $_scs_section_size  }
0xa0: {  	s5 =	simm.s32 $_size__tile_overlayer_lowered;
	s6 =	simm.s32 $_tile_overlayer_lowered  }
0xa1: {  	s22 =	simm.s32 $0x1BFF;
	s21 =	sshll.u32 s6, $0x1;
	s3 =	sadd.s32 s19, s18  }
0xa2: {  	s7 =	simm.s32 $0x0;
	s20 =	sshll.u32 s5, $0x1;
	s5 =	sadd.s32 s21, s3  }
0xa3: {  	[timem:s7], [sflag:s22] =	dma.local [hbm:s5], s20  }
0xa4: {  	_ =	swait.ge [sflag:s22], s20  }
0xa5: {  	s4 =	ssub.s32 $0x0, s20;
	[sflag:s22] =	ssyncset.done $0x0  }
0xa6: {  	[sflag:s22] =	ssyncadd.s32 s4;
	_ =	sdelay $0x1  }
0xa7: {  	s23 =	simm.s32 $0x1B8B  }
0xa8: {  	_ =	swait.ge [sflag:s23], $0x1  }
0xa9: {  	[sflag:s23] =	ssyncset.done $0x0  }
0xaa: {  	s25 =	simm.s32 $0x1B8E;
	s24 =	sld [smem:$0x3FFE];
	[sflag:s23] =	ssyncadd.s32 $0xFFFFFFFF  }
0xab: {  	s26 =	simm.s32 $execute0_lowered;
	[smem:$0x3FD2] =	sst s25  }
0xac: {  	s5 =	sshll.u32 s26, $0x1;
	_ =	strace $0x80000046;
	[dreg:$0x1] =	wrdreg $0xFFFFFFFF  }
0xad: {  	s28 =	simm.s32 $_size_execute0_lowered;
	s3 =	sadd.s32 s3, s5;
	[dreg:$0x0] =	wrdreg $0x0  }
0xae: {  	s5 =	sshll.u32 s28, $0x1;
	[dreg:$0x2] =	wrdreg s3  }
0xaf: {  	[dreg:$0x3] =	wrdreg s5  }
0xb0: {  	[dreg:$0x4] =	wrdreg $0xC0  }
0xb1: {  	_ =	task [dreg:s7], $0x5FFFF  }
0xb2: {  	[dreg:$0x1] =	wrdreg $0xFFFFFFFF  }
0xb3: {  	[dreg:$0x0] =	wrdreg $0x60  }
0xb4: {  	[dreg:$0x2] =	wrdreg s24  }
0xb5: {  	[dreg:$0x3] =	wrdreg s16  }
0xb6: {  	[dreg:$0x4] =	wrdreg $0x62800  }
0xb7: {  	[dreg:$0x5] =	wrdreg $0x9  }
0xb8: {  	_ =	task.clear_ibuf [dreg:s7], $0x6FFFF;
	_ =	strace $0x90000046  }
0xb9: {  	s29 =	simm.s32 $0x9;
	_ =	strace $0x80000048  }
0xba: {  	_ =	swait.ge [sflag:s29], $0x1  }
0xbb: {  	[sflag:s29] =	ssyncadd.s32 $0xFFFFFFFF  }
0xbc: {  	_ =	strace $0x90000048  }
0xbd: {  	_ =	sfence  }
0xbe: {  	s30 =	sld [smem:$0x0];
	_ =	sdelay $0x2  }
0xbf: {  	s31 =	sshll.u32 s1, $0xD;
	s1 =	sshrl.u32 s1, $0x2  }
0xc0: {  	s3 =	sand.u32 $0x4000, s31;
	s1 =	sadd.s32 s1, s30  }
0xc1: {  	s0 =	sor.u32 s3, s0;
	s1 =	sshll.u32 s1, $0x11  }
0xc2: {  	s0 =	sor.u32 s1, s0  }
0xc3: {  	s0 =	sadd.s32 $0x8F2B, s0  }
0xc4: {  	[sflag:s0] =	ssyncadd.remote.s32 $0x1  }
0xc5: {  	_ =	sfence.sel $0xFFFF  }
0xc6: {  	[dreg:$0x0] =	wrdreg $0xFFFFFFFF;
	(pc) =	sbr.abs _section_cstart, $3  }
0xc7: {  	[dreg:$0x1] =	wrdreg $0xFFFFFFFF  }
0xc8: {  	_ =	task.clear_ibuf [dreg:s7], $0x2FFFF;
	_ =	strace $0x9FFFFFFF  }
0xc9: {  	(tm) =	ssettm $0x7FFFFFFF  }
tec
execute0_lowered:
.L_overlay_start_1:
0x0: {  	(tag) =	ssettag $0x1  }
0x1: {  	s1 =	rddreg [dreg:$0x0]  }
0x2: {  	s5 =	rddreg [dreg:$0x1]  }
0x3: {  	s2 =	rddreg [dreg:$0x2];
	s3 =	srdreg.scid  }
0x4: {  	s0 =	rddreg [dreg:$0x3];
	s8 =	stileid.u32;
	s12 =	simm.s32 $0x1  }
0x5: {  	s13 =	simm.s32 $0x4200;
	s14 =	simm.s32 $0x1200;
	s15 =	simm.s32 $0x100  }
0x6: {  	s16 =	simm.s32 $0x2200;
	s17 =	simm.s32 $0x180;
	s18 =	simm.s32 $0x3200  }
0x7: {  	s20 =	simm.s32 $0x0;
	s4 =	sand.u32 $0x1, s3;
	s3 =	simm.s32 $0x0  }
0x8: {  	s7 =	sshll.u32 s8, $0x2;
	p0 =	sne.s32 s8, $0x0;
	s8 =	simm.s32 $0x2  }
0x9: {  	s6 =	sshll.u32 s4, $0x6;
	[smem:$0x7FF] =	sst s3;
	s9 =	ssub.s32 $0x2, s4  }
0xa: {  	s4 =	sshll.u32 s4, $0xA;
	s19 =	sshrl.u32 @!p0 s2, $0x3;
	s6 =	sor.u32 s7, s6  }
.Ltmp0:
0xb: {  	_ =	strace $0x80000047;
	s10 =	sshrl.u32 s9, $0x1;
	(pc) =	sbr.rel .LBB2_1-.Ltmp0, $4  }
0xc: {  	s11 =	sadd.s32 s4, s1;
	s7 =	sshll.u32 s6, $0x4;
	s9 =	ssub.s32 s9, s10  }
0xd: {  	s6 =	sshll.u32 s6, $0x9;
	s10 =	simm.s32 $0x80;
	s7 =	sadd.s32 s7, s1  }
0xe: {  	s5 =	sadd.s32 s5, s6;
	s6 =	sadd.s32 $0x8800, s11;
	s11 =	simm.s32 $0x200  }
0xf: {  	v0 =	vimm.f32 $1.000000000e+00;
	v1 =	vimm.f32 $0.0e+00;
	s4 =	sadd.s32 $0x8000, s7;
	s7 =	smax.u32 s9, $0x1;
	s9 =	simm.s32 $0x4280  }
.LBB2_5:
0x10: {  	[bflag:$0x0] =	sbarrier.arrive $0xFFFF  }
0x11: {  	[tilespmem:s11], [sflag:$0x1] =	stream.indirect.gather [hbm4b:s1+s10], $0x20, s3, s10, $0xb8;
	[tilespmem:$0x6480] =	vst v63  }
0x12: {  	_ =	swait.ge [sflag:s12], $0x1000  }
0x13: {  	[sflag:s12] =	ssyncset.done $0x0  }
0x14: {  	[sflag:s12] =	ssyncadd.s32 $0xFFFFF000  }
0x15: {  	[spmem:s2] =	stream.indirect.scatter.add.f32 [tilespmem:s13], [sflag:$0x2], $0x1, s3, s10, $0xb8;
	[tilespmem:$0x6480] =	vst v63  }
0x16: {  	_ =	swait.ge [sflag:s8], $0x80  }
0x17: {  	[sflag:s8] =	ssyncset.done $0x0  }
0x18: {  	[sflag:s8] =	ssyncadd.s32 $0xFFFFFF80  }
0x19: {  	[tilespmem:s14], [sflag:$0x1] =	stream.indirect.gather [hbm4b:s1+s10], $0x20, s10, s10, $0xb8;
	[tilespmem:$0x6480] =	vst v63  }
0x1a: {  	_ =	swait.ge [sflag:s12], $0x1000  }
0x1b: {  	[sflag:s12] =	ssyncset.done $0x0  }
0x1c: {  	[sflag:s12] =	ssyncadd.s32 $0xFFFFF000  }
0x1d: {  	[spmem:s2] =	stream.indirect.scatter.add.f32 [tilespmem:s13], [sflag:$0x2], $0x1, s10, s10, $0xb8;
	[tilespmem:$0x6480] =	vst v63  }
0x1e: {  	_ =	swait.ge [sflag:s8], $0x80  }
0x1f: {  	[sflag:s8] =	ssyncset.done $0x0  }
0x20: {  	[sflag:s8] =	ssyncadd.s32 $0xFFFFFF80  }
0x21: {  	[tilespmem:s16], [sflag:$0x1] =	stream.indirect.gather [hbm4b:s1+s10], $0x20, s15, s10, $0xb8;
	[tilespmem:$0x6480] =	vst v63  }
0x22: {  	_ =	swait.ge [sflag:s12], $0x1000  }
0x23: {  	[sflag:s12] =	ssyncset.done $0x0  }
0x24: {  	[sflag:s12] =	ssyncadd.s32 $0xFFFFF000  }
0x25: {  	[spmem:s2] =	stream.indirect.scatter.add.f32 [tilespmem:s13], [sflag:$0x2], $0x1, s15, s10, $0xb8;
	[tilespmem:$0x6480] =	vst v63  }
0x26: {  	_ =	swait.ge [sflag:s8], $0x80  }
0x27: {  	[sflag:s8] =	ssyncset.done $0x0  }
0x28: {  	[sflag:s8] =	ssyncadd.s32 $0xFFFFFF80  }
0x29: {  	[tilespmem:s18], [sflag:$0x1] =	stream.indirect.gather [hbm4b:s1+s10], $0x20, s17, s10, $0xb8;
	[tilespmem:$0x6480] =	vst v63  }
0x2a: {  	_ =	swait.ge [sflag:s12], $0x1000  }
0x2b: {  	[sflag:s12] =	ssyncset.done $0x0  }
0x2c: {  	[sflag:s12] =	ssyncadd.s32 $0xFFFFF000  }
0x2d: {  	[spmem:s2] =	stream.indirect.scatter.add.f32 [tilespmem:s13], [sflag:$0x2], $0x1, s17, s10, $0xb8;
	[tilespmem:$0x6480] =	vst v63  }
0x2e: {  	_ =	swait.ge [sflag:s8], $0x80  }
0x2f: {  	[sflag:s8] =	ssyncset.done $0x0  }
0x30: {  	[sflag:s8] =	ssyncadd.s32 $0xFFFFFF80  }
0x31: {  	[hbm4b:s5+s3] =	stream.linear.scatter [tilespmem:s11], [sflag:$0x2], $0x4000, $0x38;
	[tilespmem:$0x6480] =	vst v63  }
0x32: {  	_ =	swait.ge [sflag:s8], $0x4000  }
0x33: {  	[sflag:s8] =	ssyncset.done $0x0  }
0x34: {  	s20 =	sadd.s32 $0x1, s20;
	[sflag:s8] =	ssyncadd.s32 $0xFFFFC000  }
0x35: {  	s21 =	simm.s32 @!p0 $0x1C02;
	p1 =	sne.s32 s20, s7;
	[bflag:$0x0] =	sbarrier.arrive $0xFFFF  }
0x36: {  	[hbm:s6], [sflag:s21] =	dma.local @!p0 [spmem:s19], $0x400  }
.Ltmp1:
0x37: {  	_ = 	snop;
	(pc) =	sbr.rel @!p1 .LBB2_6-.Ltmp1, $4  }
0x38: {  	s21 =	simm.s32 @!p0 $0x2  }
0x39: {  	_ =	swait.ge @!p0 [sflag:s21], $0x400  }
0x3a: {  	[sflag:s21] =	ssyncset.done @!p0 $0x0  }
0x3b: {  	[sflag:s21] =	ssyncadd.s32 @!p0 $0xFFFFFC00  }
.LBB2_1:
0x3c: {  	[tilespmem:s3], [sflag:$0x2] =	stream.linear.gather [hbm4b:s4+s3], $0x200, $0x38;
	[tilespmem:$0x6480] =	vst v63  }
0x3d: {  	_ =	swait.ge [sflag:s8], $0x200  }
0x3e: {  	[sflag:s8] =	ssyncset.done $0x0  }
0x3f: {  	[sflag:s8] =	ssyncadd.s32 $0xFFFFFE00  }
0x40: {  	[tilespmem:$0x4200] =	vst v0  }
0x41: {  	[tilespmem:$0x4210] =	vst v0  }
0x42: {  	[tilespmem:$0x4220] =	vst v0  }
.Ltmp2:
0x43: {  	[tilespmem:$0x4230] =	vst v0;
	(pc) =	sbr.rel @p0 .LBB2_5-.Ltmp2, $4  }
0x44: {  	[tilespmem:$0x4240] =	vst v0  }
0x45: {  	[tilespmem:$0x4250] =	vst v0  }
0x46: {  	[tilespmem:$0x4260] =	vst v0  }
0x47: {  	[tilespmem:$0x4270] =	vst v0  }
0x48: {  	s21 =	simm.s32 $0x40;
	s22 =	simm.s32 $0x0  }
.LBB2_3:
0x49: {  	p1 =	sne.s32 s21, $0x7FC0;
	[tilespmem:s22+$0x4280] =	vst v1;
	s22 =	smov.u32 s21;
	s21 =	sadd.s32 $0x40, s21  }
.Ltmp3:
0x4a: {  	(pc) =	sbr.rel @p1 .LBB2_3-.Ltmp3, $2  }
0x4b: {  	_ =	sdelay $0x2  }
0x4c: {  	s22 =	sshra.s32 s22, $0x2  }
.Ltmp4:
0x4d: {  	[tilespmem:s22+$0x4280] =	vst v1;
	(pc) =	sbr.rel .LBB2_5-.Ltmp4, $4  }
0x4e: {  	[spmem:s2] =	stream.linear.scatter [tilespmem:s9], [sflag:$0x2], $0x2000, $0x38;
	[tilespmem:$0x6480] =	vst v63  }
0x4f: {  	_ =	swait.ge [sflag:s8], $0x2000  }
0x50: {  	[sflag:s8] =	ssyncset.done $0x0  }
0x51: {  	[sflag:s8] =	ssyncadd.s32 $0xFFFFE000  }
.LBB2_6:
0x52: {  	_ =	sfence.sel $0x180000  }
0x53: {  	[bflag:$0x0] =	sbarrier.arrive $0xFFFF  }
0x54: {  	_ =	strace $0x90000047  }
0x55: {  	s0 =	sadd.s32 @!p0 $0x100000, s0;
	[bflag:$0x2] =	sbarrier.arrive $0xFFFF  }
0x56: {  	[sflag:s0] =	ssyncadd.tile.s32 @!p0 $0x1;
	_ =	shalt  }
.Lfunc_end2:
_tile_overlayer_lowered:
.L_overlay_start_2:
0x57: {  	(tag) =	ssettag $0x2  }
0x58: {  	s0 =	rddreg [dreg:$0x0];
	s2 =	stileid.u32  }
0x59: {  	s1 =	rddreg [dreg:$0x1];
	p0 =	sne.s32 s2, $0x0  }
0x5a: {  	s3 =	rddreg [dreg:$0x2];
	[bflag:$0x3] =	sbarrier.arrive $0xFFFF;
	s2 =	simm.s32 @!p0 $0x1C02  }
0x5b: {  	[timem:s3], [sflag:s2] =	dma.local @!p0 [hbm:s0], s1  }
0x5c: {  	s0 =	simm.s32 @!p0 $0x2  }
0x5d: {  	_ =	swait.ge @!p0 [sflag:s0], s1  }
0x5e: {  	s1 =	ssub.s32 @!p0 $0x0, s1;
	[sflag:s0] =	ssyncset.done @!p0 $0x0  }
0x5f: {  	[sflag:s0] =	ssyncadd.s32 @!p0 s1  }
0x60: {  	[bflag:$0x3] =	sbarrier.arrive $0xFFFF  }
0x61: {  	_ =	shalt  }

</sc_bundles>
